<compile_context>
chip_gen: v7x
topology: tpu7x:2x2x1
jax: 0.10.2.dev20260603
libtpu: 0.0.44.dev20260713+nightly
codegen_flags: <defaults>
</compile_context>

<pallas_src>
import functools

import jax
import jax.numpy as jnp
from jax import lax
from jax.experimental import pallas as pl
from jax.experimental.pallas import tpu as pltpu
from jax.experimental.pallas import tpu_sc as plsc

B = 4096
L = 200
DIM = 64
PDIM = 128
N = B * L
ROW = 256
NROWS = N // ROW
NC = 2
NS = 16
NW = NC * NS
ROWS_PER_W = NROWS // NW
NBUF = 2
CH = 1
NCHUNK = ROWS_PER_W // CH
NITER = NCHUNK // NBUF


@jax.jit
def _embed(table_p, idx):
    mesh = plsc.VectorSubcoreMesh(core_axis_name="c", subcore_axis_name="s")

    @functools.partial(
        pl.kernel,
        mesh=mesh,
        out_type=jax.ShapeDtypeStruct((N, PDIM), jnp.float32),
        scratch_types=[
            pltpu.VMEM((NBUF, CH, ROW), jnp.int32),
            pltpu.VMEM((NBUF, CH * ROW, PDIM), jnp.float32),
            pltpu.SemaphoreType.DMA,
            pltpu.SemaphoreType.DMA,
            pltpu.SemaphoreType.DMA,
            pltpu.SemaphoreType.DMA,
        ],
        compiler_params=pltpu.CompilerParams(use_tc_tiling_on_sc=True),
    )
    def emb(table_hbm, idx_hbm, out_hbm, idx_v, rows_v,
            g0, g1, s0, s1):
        gsem = (g0, g1)
        ssem = (s0, s1)
        wid = lax.axis_index("s") * NC + lax.axis_index("c")
        row_base = wid * ROWS_PER_W

        def fire_gathers(c, b):
            r0 = row_base + c * CH
            pltpu.sync_copy(idx_hbm.at[pl.ds(r0, CH)], idx_v.at[b])
            for j in range(CH):
                pltpu.async_copy(
                    table_hbm.at[idx_v.at[b].at[j]],
                    rows_v.at[b].at[pl.ds(j * ROW, ROW)],
                    gsem[b],
                )

        def wait_gathers(b):
            for j in range(CH):
                pltpu.make_async_copy(
                    table_hbm.at[idx_v.at[b].at[j]],
                    rows_v.at[b].at[pl.ds(j * ROW, ROW)],
                    gsem[b],
                ).wait()

        for b in range(NBUF):
            fire_gathers(b, b)

        def body(g, carry):
            for b in range(NBUF):
                c = g * NBUF + b
                f0 = (row_base + c * CH) * ROW
                wait_gathers(b)
                st = pltpu.async_copy(
                    rows_v.at[b],
                    out_hbm.at[pl.ds(f0, CH * ROW)],
                    ssem[b],
                )
                st.wait()
                nxt = c + NBUF

                @pl.when(nxt < NCHUNK)
                def _():
                    fire_gathers(nxt, b)

            return carry

        lax.fori_loop(0, NITER, body, 0)

    return emb(table_p, idx)


def kernel(x, table):
    table_p = jnp.pad(table, ((0, 0), (0, PDIM - DIM)))
    idx = x.reshape(NROWS, ROW)
    out = _embed(table_p, idx)
    return out[:, :DIM].reshape(B, L, DIM)

# --- scband reference (transcript-rebuilt; emitter-appended) ---
"""Pipeline reference for scband-embidding-70119636075220 (READ-ONLY COPY).

The authoritative reference and input builder live on the scoring server;
editing this copy changes nothing except your own understanding.
"""

import jax, jax.numpy as jnp
import numpy as np

VOCAB = 1000000
DIM = 64
B = 4096
L = 200

def setup_inputs(seed: int = 0) -> dict:
    key = jax.random.key(seed)
    k1, k2 = jax.random.split(key)
    x = jax.random.randint(k1, (B, L), 0, VOCAB, dtype=jnp.int64 if jax.config.jax_enable_x64 else jnp.int32)
    table = jax.random.normal(k2, (VOCAB, DIM), dtype=jnp.float32)
    return {"x": x, "table": table}

def reference(x, table):
    # nn.Embedding(vocab_size, dim_model) lookup: out[b, l, :] = table[x[b, l], :]
    return jnp.take(table, x, axis=0)

if __name__ == "__main__":
    import jax
    _d = setup_inputs()
    print(jax.jit(kernel)(*tuple(_d.values())))

</pallas_src>

<mosaic_0001>
#map = affine_map<(d0, d1) -> (0, 0)>
module attributes {stable_mosaic.version = 14 : i64} {
  func.func @emb(%arg0: i32, %arg1: i32, %arg2: memref<1000000x128xf32, #tpu.memory_space<hbm>>, %arg3: memref<3200x256xi32, #tpu.memory_space<hbm>>, %arg4: memref<819200x128xf32, #tpu.memory_space<hbm>>, %arg5: memref<2x1x256xi32, #tpu.memory_space<vmem>>, %arg6: memref<2x256x128xf32, #tpu.memory_space<vmem>>, %arg7: memref<!tpu.dma_semaphore, #tpu.memory_space<semaphore_mem>>, %arg8: memref<!tpu.dma_semaphore, #tpu.memory_space<semaphore_mem>>, %arg9: memref<!tpu.dma_semaphore, #tpu.memory_space<semaphore_mem>>, %arg10: memref<!tpu.dma_semaphore, #tpu.memory_space<semaphore_mem>>) attributes {dimension_semantics = [#tpu.dimension_semantics<core_parallel>, #tpu.dimension_semantics<subcore_parallel>], iteration_bounds = array<i64: 2, 16>, scalar_prefetch = 0 : i64, scratch_operands = 6 : i64, tpu.core_type = #tpu.core_type<sc_vector_subcore>, window_params = [{transform_indices = #map}, {transform_indices = #map}, {transform_indices = #map}]} {
    %mul3A = arith.constant 2 : i32
    %mul3A_0 = arith.muli %arg1, %mul3A : i32
    %add3A = arith.addi %mul3A_0, %arg0 : i32
    %mul3A_1 = arith.constant 100 : i32
    %mul3A_2 = arith.muli %add3A, %mul3A_1 : i32
    %add3A_3 = arith.constant 0 : i32
    %add3A_4 = arith.addi %mul3A_2, %add3A_3 : i32
    %run_scoped3A = arith.constant 0 : i32
    "tpu.region"() ({
      %run_scoped3A_52 = tpu.sem_alloc : memref<!tpu.dma_semaphore, #tpu.memory_space<semaphore_mem>>
      %dma_start3A_53 = arith.constant 0 : i32
      %dma_start3A_54 = arith.constant 0 : i32
      %dma_start3A_55 = tpu.memref_slice %arg5[%run_scoped3A, %dma_start3A_53, %dma_start3A_54] : memref<2x1x256xi32, #tpu.memory_space<vmem>> -> memref<1x1x256xi32, #tpu.memory_space<vmem>>
      %dma_start3A_56 = tpu.memref_squeeze %dma_start3A_55 : memref<1x1x256xi32, #tpu.memory_space<vmem>> -> memref<1x256xi32, #tpu.memory_space<vmem>>
      %dma_start3A_57 = arith.constant 0 : i32
      %dma_start3A_58 = tpu.memref_slice %arg3[%add3A_4, %dma_start3A_57] : memref<3200x256xi32, #tpu.memory_space<hbm>> -> memref<1x256xi32, #tpu.memory_space<hbm>>
      %dma_start3A_59 = arith.constant 0 : i32
      %dma_start3A_60 = arith.constant 0 : i32
      %dma_start3A_61 = tpu.memref_slice %arg5[%run_scoped3A, %dma_start3A_59, %dma_start3A_60] : memref<2x1x256xi32, #tpu.memory_space<vmem>> -> memref<1x1x256xi32, #tpu.memory_space<vmem>>
      %dma_start3A_62 = tpu.memref_squeeze %dma_start3A_61 : memref<1x1x256xi32, #tpu.memory_space<vmem>> -> memref<1x256xi32, #tpu.memory_space<vmem>>
      %dma_start3A_63 = arith.constant 0 : i32
      %dma_start3A_64 = tpu.memref_slice %arg3[%add3A_4, %dma_start3A_63] : memref<3200x256xi32, #tpu.memory_space<hbm>> -> memref<1x256xi32, #tpu.memory_space<hbm>>
      tpu.enqueue_dma source(%dma_start3A_64 : memref<1x256xi32, #tpu.memory_space<hbm>>) target(%dma_start3A_62 : memref<1x256xi32, #tpu.memory_space<vmem>>) target_semaphore(%run_scoped3A_52 : memref<!tpu.dma_semaphore, #tpu.memory_space<semaphore_mem>>)
      %dma_wait3A = arith.constant 0 : i32
      %dma_wait3A_65 = arith.constant 0 : i32
      %dma_wait3A_66 = tpu.memref_slice %arg5[%run_scoped3A, %dma_wait3A, %dma_wait3A_65] : memref<2x1x256xi32, #tpu.memory_space<vmem>> -> memref<1x1x256xi32, #tpu.memory_space<vmem>>
      %dma_wait3A_67 = tpu.memref_squeeze %dma_wait3A_66 : memref<1x1x256xi32, #tpu.memory_space<vmem>> -> memref<1x256xi32, #tpu.memory_space<vmem>>
      %dma_wait3A_68 = arith.constant 0 : i32
      %dma_wait3A_69 = tpu.memref_slice %arg3[%add3A_4, %dma_wait3A_68] : memref<3200x256xi32, #tpu.memory_space<hbm>> -> memref<1x256xi32, #tpu.memory_space<hbm>>
      %dma_wait3A_70 = arith.constant 0 : i32
      %dma_wait3A_71 = arith.constant 0 : i32
      %dma_wait3A_72 = tpu.memref_slice %arg5[%run_scoped3A, %dma_wait3A_70, %dma_wait3A_71] : memref<2x1x256xi32, #tpu.memory_space<vmem>> -> memref<1x1x256xi32, #tpu.memory_space<vmem>>
      %dma_wait3A_73 = tpu.memref_squeeze %dma_wait3A_72 : memref<1x1x256xi32, #tpu.memory_space<vmem>> -> memref<1x256xi32, #tpu.memory_space<vmem>>
      %dma_wait3A_74 = arith.constant 0 : i32
      %dma_wait3A_75 = tpu.memref_slice %arg3[%add3A_4, %dma_wait3A_74] : memref<3200x256xi32, #tpu.memory_space<hbm>> -> memref<1x256xi32, #tpu.memory_space<hbm>>
      tpu.wait_dma2 semaphore(%run_scoped3A_52 : memref<!tpu.dma_semaphore, #tpu.memory_space<semaphore_mem>>) src(%dma_wait3A_75 : memref<1x256xi32, #tpu.memory_space<hbm>>) dst(%dma_wait3A_73 : memref<1x256xi32, #tpu.memory_space<vmem>>)
      tpu.yield
    }) : () -> ()
    %dma_start3A = arith.constant 0 : i32
    %dma_start3A_5 = arith.constant 0 : i32
    %dma_start3A_6 = arith.constant 0 : i32
    %dma_start3A_7 = arith.constant 0 : i32
    %dma_start3A_8 = arith.constant 0 : i32
    %dma_start3A_9 = tpu.memref_slice %arg6[%dma_start3A_6, %dma_start3A_7, %dma_start3A_8] : memref<2x256x128xf32, #tpu.memory_space<vmem>> -> memref<1x256x128xf32, #tpu.memory_space<vmem>>
    %dma_start3A_10 = tpu.memref_squeeze %dma_start3A_9 : memref<1x256x128xf32, #tpu.memory_space<vmem>> -> memref<256x128xf32, #tpu.memory_space<vmem>>
    %dma_start3A_11 = arith.constant 0 : i32
    %dma_start3A_12 = arith.constant 0 : i32
    %dma_start3A_13 = tpu.memref_slice %dma_start3A_10[%dma_start3A_11, %dma_start3A_12] : memref<256x128xf32, #tpu.memory_space<vmem>> -> memref<256x128xf32, #tpu.memory_space<vmem>>
    %dma_start3A_14 = arith.constant 0 : i32
    %dma_start3A_15 = arith.constant 0 : i32
    %dma_start3A_16 = tpu.memref_slice %arg5[%dma_start3A, %dma_start3A_14, %dma_start3A_15] : memref<2x1x256xi32, #tpu.memory_space<vmem>> -> memref<1x1x256xi32, #tpu.memory_space<vmem>>
    %dma_start3A_17 = tpu.memref_squeeze %dma_start3A_16 : memref<1x1x256xi32, #tpu.memory_space<vmem>> -> memref<1x256xi32, #tpu.memory_space<vmem>>
    %dma_start3A_18 = arith.constant 0 : i32
    %dma_start3A_19 = tpu.memref_slice %dma_start3A_17[%dma_start3A_5, %dma_start3A_18] : memref<1x256xi32, #tpu.memory_space<vmem>> -> memref<1x256xi32, #tpu.memory_space<vmem>>
    %dma_start3A_20 = tpu.memref_squeeze %dma_start3A_19 : memref<1x256xi32, #tpu.memory_space<vmem>> -> memref<256xi32, #tpu.memory_space<vmem>>
    %dma_start3A_21 = arith.constant 0 : i32
    %dma_start3A_22 = arith.constant 0 : i32
    %dma_start3A_23 = tpu.memref_slice %arg2[%dma_start3A_21, %dma_start3A_22] : memref<1000000x128xf32, #tpu.memory_space<hbm>> -> memref<1000000x128xf32, #tpu.memory_space<hbm>>
    tpu.enqueue_indirect_dma source(%dma_start3A_23 : memref<1000000x128xf32, #tpu.memory_space<hbm>>) target(%dma_start3A_13 : memref<256x128xf32, #tpu.memory_space<vmem>>) offsets(%dma_start3A_20 : memref<256xi32, #tpu.memory_space<vmem>>) semaphore(%arg7 : memref<!tpu.dma_semaphore, #tpu.memory_space<semaphore_mem>>)
    %add3A_24 = arith.constant 1 : i32
    %add3A_25 = arith.addi %mul3A_2, %add3A_24 : i32
    %run_scoped3A_26 = arith.constant 1 : i32
    "tpu.region"() ({
      %run_scoped3A_52 = tpu.sem_alloc : memref<!tpu.dma_semaphore, #tpu.memory_space<semaphore_mem>>
      %dma_start3A_53 = arith.constant 0 : i32
      %dma_start3A_54 = arith.constant 0 : i32
      %dma_start3A_55 = tpu.memref_slice %arg5[%run_scoped3A_26, %dma_start3A_53, %dma_start3A_54] : memref<2x1x256xi32, #tpu.memory_space<vmem>> -> memref<1x1x256xi32, #tpu.memory_space<vmem>>
      %dma_start3A_56 = tpu.memref_squeeze %dma_start3A_55 : memref<1x1x256xi32, #tpu.memory_space<vmem>> -> memref<1x256xi32, #tpu.memory_space<vmem>>
      %dma_start3A_57 = arith.constant 0 : i32
      %dma_start3A_58 = tpu.memref_slice %arg3[%add3A_25, %dma_start3A_57] : memref<3200x256xi32, #tpu.memory_space<hbm>> -> memref<1x256xi32, #tpu.memory_space<hbm>>
      %dma_start3A_59 = arith.constant 0 : i32
      %dma_start3A_60 = arith.constant 0 : i32
      %dma_start3A_61 = tpu.memref_slice %arg5[%run_scoped3A_26, %dma_start3A_59, %dma_start3A_60] : memref<2x1x256xi32, #tpu.memory_space<vmem>> -> memref<1x1x256xi32, #tpu.memory_space<vmem>>
      %dma_start3A_62 = tpu.memref_squeeze %dma_start3A_61 : memref<1x1x256xi32, #tpu.memory_space<vmem>> -> memref<1x256xi32, #tpu.memory_space<vmem>>
      %dma_start3A_63 = arith.constant 0 : i32
      %dma_start3A_64 = tpu.memref_slice %arg3[%add3A_25, %dma_start3A_63] : memref<3200x256xi32, #tpu.memory_space<hbm>> -> memref<1x256xi32, #tpu.memory_space<hbm>>
      tpu.enqueue_dma source(%dma_start3A_64 : memref<1x256xi32, #tpu.memory_space<hbm>>) target(%dma_start3A_62 : memref<1x256xi32, #tpu.memory_space<vmem>>) target_semaphore(%run_scoped3A_52 : memref<!tpu.dma_semaphore, #tpu.memory_space<semaphore_mem>>)
      %dma_wait3A = arith.constant 0 : i32
      %dma_wait3A_65 = arith.constant 0 : i32
      %dma_wait3A_66 = tpu.memref_slice %arg5[%run_scoped3A_26, %dma_wait3A, %dma_wait3A_65] : memref<2x1x256xi32, #tpu.memory_space<vmem>> -> memref<1x1x256xi32, #tpu.memory_space<vmem>>
      %dma_wait3A_67 = tpu.memref_squeeze %dma_wait3A_66 : memref<1x1x256xi32, #tpu.memory_space<vmem>> -> memref<1x256xi32, #tpu.memory_space<vmem>>
      %dma_wait3A_68 = arith.constant 0 : i32
      %dma_wait3A_69 = tpu.memref_slice %arg3[%add3A_25, %dma_wait3A_68] : memref<3200x256xi32, #tpu.memory_space<hbm>> -> memref<1x256xi32, #tpu.memory_space<hbm>>
      %dma_wait3A_70 = arith.constant 0 : i32
      %dma_wait3A_71 = arith.constant 0 : i32
      %dma_wait3A_72 = tpu.memref_slice %arg5[%run_scoped3A_26, %dma_wait3A_70, %dma_wait3A_71] : memref<2x1x256xi32, #tpu.memory_space<vmem>> -> memref<1x1x256xi32, #tpu.memory_space<vmem>>
      %dma_wait3A_73 = tpu.memref_squeeze %dma_wait3A_72 : memref<1x1x256xi32, #tpu.memory_space<vmem>> -> memref<1x256xi32, #tpu.memory_space<vmem>>
      %dma_wait3A_74 = arith.constant 0 : i32
      %dma_wait3A_75 = tpu.memref_slice %arg3[%add3A_25, %dma_wait3A_74] : memref<3200x256xi32, #tpu.memory_space<hbm>> -> memref<1x256xi32, #tpu.memory_space<hbm>>
      tpu.wait_dma2 semaphore(%run_scoped3A_52 : memref<!tpu.dma_semaphore, #tpu.memory_space<semaphore_mem>>) src(%dma_wait3A_75 : memref<1x256xi32, #tpu.memory_space<hbm>>) dst(%dma_wait3A_73 : memref<1x256xi32, #tpu.memory_space<vmem>>)
      tpu.yield
    }) : () -> ()
    %dma_start3A_27 = arith.constant 1 : i32
    %dma_start3A_28 = arith.constant 0 : i32
    %dma_start3A_29 = arith.constant 1 : i32
    %dma_start3A_30 = arith.constant 0 : i32
    %dma_start3A_31 = arith.constant 0 : i32
    %dma_start3A_32 = tpu.memref_slice %arg6[%dma_start3A_29, %dma_start3A_30, %dma_start3A_31] : memref<2x256x128xf32, #tpu.memory_space<vmem>> -> memref<1x256x128xf32, #tpu.memory_space<vmem>>
    %dma_start3A_33 = tpu.memref_squeeze %dma_start3A_32 : memref<1x256x128xf32, #tpu.memory_space<vmem>> -> memref<256x128xf32, #tpu.memory_space<vmem>>
    %dma_start3A_34 = arith.constant 0 : i32
    %dma_start3A_35 = arith.constant 0 : i32
    %dma_start3A_36 = tpu.memref_slice %dma_start3A_33[%dma_start3A_34, %dma_start3A_35] : memref<256x128xf32, #tpu.memory_space<vmem>> -> memref<256x128xf32, #tpu.memory_space<vmem>>
    %dma_start3A_37 = arith.constant 0 : i32
    %dma_start3A_38 = arith.constant 0 : i32
    %dma_start3A_39 = tpu.memref_slice %arg5[%dma_start3A_27, %dma_start3A_37, %dma_start3A_38] : memref<2x1x256xi32, #tpu.memory_space<vmem>> -> memref<1x1x256xi32, #tpu.memory_space<vmem>>
    %dma_start3A_40 = tpu.memref_squeeze %dma_start3A_39 : memref<1x1x256xi32, #tpu.memory_space<vmem>> -> memref<1x256xi32, #tpu.memory_space<vmem>>
    %dma_start3A_41 = arith.constant 0 : i32
    %dma_start3A_42 = tpu.memref_slice %dma_start3A_40[%dma_start3A_28, %dma_start3A_41] : memref<1x256xi32, #tpu.memory_space<vmem>> -> memref<1x256xi32, #tpu.memory_space<vmem>>
    %dma_start3A_43 = tpu.memref_squeeze %dma_start3A_42 : memref<1x256xi32, #tpu.memory_space<vmem>> -> memref<256xi32, #tpu.memory_space<vmem>>
    %dma_start3A_44 = arith.constant 0 : i32
    %dma_start3A_45 = arith.constant 0 : i32
    %dma_start3A_46 = tpu.memref_slice %arg2[%dma_start3A_44, %dma_start3A_45] : memref<1000000x128xf32, #tpu.memory_space<hbm>> -> memref<1000000x128xf32, #tpu.memory_space<hbm>>
    tpu.enqueue_indirect_dma source(%dma_start3A_46 : memref<1000000x128xf32, #tpu.memory_space<hbm>>) target(%dma_start3A_36 : memref<256x128xf32, #tpu.memory_space<vmem>>) offsets(%dma_start3A_43 : memref<256xi32, #tpu.memory_space<vmem>>) semaphore(%arg8 : memref<!tpu.dma_semaphore, #tpu.memory_space<semaphore_mem>>)
    %scan3A = arith.constant 0 : i32
    %scan3A_47 = arith.constant 0 : i32
    %scan3A_48 = arith.constant 50 : i32
    %scan3A_49 = arith.addi %scan3A_47, %scan3A_48 : i32
    %scan3A_50 = arith.constant 1 : i32
    scf.for %scan3A_52 = %scan3A_47 to %scan3A_49 step %scan3A_50  : i32 {
      %mul3A_53 = arith.constant 2 : i32
      %mul3A_54 = arith.muli %scan3A_52, %mul3A_53 : i32
      %add3A_55 = arith.constant 0 : i32
      %add3A_56 = arith.addi %mul3A_54, %add3A_55 : i32
      %mul3A_57 = arith.constant 1 : i32
      %mul3A_58 = arith.muli %add3A_56, %mul3A_57 : i32
      %add3A_59 = arith.addi %mul3A_2, %mul3A_58 : i32
      %mul3A_60 = arith.constant 256 : i32
      %mul3A_61 = arith.muli %add3A_59, %mul3A_60 : i32
      %dma_wait3A = arith.constant 0 : i32
      %dma_wait3A_62 = arith.constant 0 : i32
      %dma_wait3A_63 = arith.constant 0 : i32
      %dma_wait3A_64 = arith.constant 0 : i32
      %dma_wait3A_65 = arith.constant 0 : i32
      %dma_wait3A_66 = tpu.memref_slice %arg6[%dma_wait3A_63, %dma_wait3A_64, %dma_wait3A_65] : memref<2x256x128xf32, #tpu.memory_space<vmem>> -> memref<1x256x128xf32, #tpu.memory_space<vmem>>
      %dma_wait3A_67 = tpu.memref_squeeze %dma_wait3A_66 : memref<1x256x128xf32, #tpu.memory_space<vmem>> -> memref<256x128xf32, #tpu.memory_space<vmem>>
      %dma_wait3A_68 = arith.constant 0 : i32
      %dma_wait3A_69 = arith.constant 0 : i32
      %dma_wait3A_70 = tpu.memref_slice %dma_wait3A_67[%dma_wait3A_68, %dma_wait3A_69] : memref<256x128xf32, #tpu.memory_space<vmem>> -> memref<256x128xf32, #tpu.memory_space<vmem>>
      %dma_wait3A_71 = arith.constant 0 : i32
      %dma_wait3A_72 = arith.constant 0 : i32
      %dma_wait3A_73 = tpu.memref_slice %arg5[%dma_wait3A, %dma_wait3A_71, %dma_wait3A_72] : memref<2x1x256xi32, #tpu.memory_space<vmem>> -> memref<1x1x256xi32, #tpu.memory_space<vmem>>
      %dma_wait3A_74 = tpu.memref_squeeze %dma_wait3A_73 : memref<1x1x256xi32, #tpu.memory_space<vmem>> -> memref<1x256xi32, #tpu.memory_space<vmem>>
      %dma_wait3A_75 = arith.constant 0 : i32
      %dma_wait3A_76 = tpu.memref_slice %dma_wait3A_74[%dma_wait3A_62, %dma_wait3A_75] : memref<1x256xi32, #tpu.memory_space<vmem>> -> memref<1x256xi32, #tpu.memory_space<vmem>>
      %dma_wait3A_77 = tpu.memref_squeeze %dma_wait3A_76 : memref<1x256xi32, #tpu.memory_space<vmem>> -> memref<256xi32, #tpu.memory_space<vmem>>
      %dma_wait3A_78 = arith.constant 0 : i32
      %dma_wait3A_79 = arith.constant 0 : i32
      %dma_wait3A_80 = tpu.memref_slice %arg2[%dma_wait3A_78, %dma_wait3A_79] : memref<1000000x128xf32, #tpu.memory_space<hbm>> -> memref<1000000x128xf32, #tpu.memory_space<hbm>>
      tpu.wait_indirect_dma semaphore(%arg7 : memref<!tpu.dma_semaphore, #tpu.memory_space<semaphore_mem>>) src(%dma_wait3A_80 : memref<1000000x128xf32, #tpu.memory_space<hbm>>) dst(%dma_wait3A_70 : memref<256x128xf32, #tpu.memory_space<vmem>>)
      %dma_start3A_81 = arith.constant 0 : i32
      %dma_start3A_82 = arith.constant 0 : i32
      %dma_start3A_83 = arith.constant 0 : i32
      %dma_start3A_84 = tpu.memref_slice %arg6[%dma_start3A_81, %dma_start3A_82, %dma_start3A_83] : memref<2x256x128xf32, #tpu.memory_space<vmem>> -> memref<1x256x128xf32, #tpu.memory_space<vmem>>
      %dma_start3A_85 = tpu.memref_squeeze %dma_start3A_84 : memref<1x256x128xf32, #tpu.memory_space<vmem>> -> memref<256x128xf32, #tpu.memory_space<vmem>>
      %dma_start3A_86 = arith.constant 0 : i32
      %dma_start3A_87 = tpu.memref_slice %arg4[%mul3A_61, %dma_start3A_86] : memref<819200x128xf32, #tpu.memory_space<hbm>> -> memref<256x128xf32, #tpu.memory_space<hbm>>
      %dma_start3A_88 = arith.constant 0 : i32
      %dma_start3A_89 = tpu.memref_slice %arg4[%mul3A_61, %dma_start3A_88] : memref<819200x128xf32, #tpu.memory_space<hbm>> -> memref<256x128xf32, #tpu.memory_space<hbm>>
      %dma_start3A_90 = arith.constant 0 : i32
      %dma_start3A_91 = arith.constant 0 : i32
      %dma_start3A_92 = tpu.memref_slice %arg6[%dma_start3A_81, %dma_start3A_90, %dma_start3A_91] : memref<2x256x128xf32, #tpu.memory_space<vmem>> -> memref<1x256x128xf32, #tpu.memory_space<vmem>>
      %dma_start3A_93 = tpu.memref_squeeze %dma_start3A_92 : memref<1x256x128xf32, #tpu.memory_space<vmem>> -> memref<256x128xf32, #tpu.memory_space<vmem>>
      tpu.enqueue_dma source(%dma_start3A_93 : memref<256x128xf32, #tpu.memory_space<vmem>>) target(%dma_start3A_89 : memref<256x128xf32, #tpu.memory_space<hbm>>) target_semaphore(%arg9 : memref<!tpu.dma_semaphore, #tpu.memory_space<semaphore_mem>>)
      %dma_wait3A_94 = arith.constant 0 : i32
      %dma_wait3A_95 = arith.constant 0 : i32
      %dma_wait3A_96 = arith.constant 0 : i32
      %dma_wait3A_97 = tpu.memref_slice %arg6[%dma_wait3A_94, %dma_wait3A_95, %dma_wait3A_96] : memref<2x256x128xf32, #tpu.memory_space<vmem>> -> memref<1x256x128xf32, #tpu.memory_space<vmem>>
      %dma_wait3A_98 = tpu.memref_squeeze %dma_wait3A_97 : memref<1x256x128xf32, #tpu.memory_space<vmem>> -> memref<256x128xf32, #tpu.memory_space<vmem>>
      %dma_wait3A_99 = arith.constant 0 : i32
      %dma_wait3A_100 = tpu.memref_slice %arg4[%mul3A_61, %dma_wait3A_99] : memref<819200x128xf32, #tpu.memory_space<hbm>> -> memref<256x128xf32, #tpu.memory_space<hbm>>
      %dma_wait3A_101 = arith.constant 0 : i32
      %dma_wait3A_102 = tpu.memref_slice %arg4[%mul3A_61, %dma_wait3A_101] : memref<819200x128xf32, #tpu.memory_space<hbm>> -> memref<256x128xf32, #tpu.memory_space<hbm>>
      %dma_wait3A_103 = arith.constant 0 : i32
      %dma_wait3A_104 = arith.constant 0 : i32
      %dma_wait3A_105 = tpu.memref_slice %arg6[%dma_wait3A_94, %dma_wait3A_103, %dma_wait3A_104] : memref<2x256x128xf32, #tpu.memory_space<vmem>> -> memref<1x256x128xf32, #tpu.memory_space<vmem>>
      %dma_wait3A_106 = tpu.memref_squeeze %dma_wait3A_105 : memref<1x256x128xf32, #tpu.memory_space<vmem>> -> memref<256x128xf32, #tpu.memory_space<vmem>>
      tpu.wait_dma2 semaphore(%arg9 : memref<!tpu.dma_semaphore, #tpu.memory_space<semaphore_mem>>) src(%dma_wait3A_106 : memref<256x128xf32, #tpu.memory_space<vmem>>) dst(%dma_wait3A_102 : memref<256x128xf32, #tpu.memory_space<hbm>>)
      %add3A_107 = arith.constant 2 : i32
      %add3A_108 = arith.addi %add3A_56, %add3A_107 : i32
      %lt3A = arith.constant 100 : i32
      %lt3A_109 = arith.cmpi slt, %add3A_108, %lt3A : i32
      %convert_element_type3A = arith.extui %lt3A_109 : i1 to i32
      %cond3A = arith.constant 0 : i32
      %cond3A_110 = arith.cmpi ne, %convert_element_type3A, %cond3A : i32
      scf.if %cond3A_110 {
        %mul3A_173 = arith.constant 1 : i32
        %mul3A_174 = arith.muli %add3A_108, %mul3A_173 : i32
        %add3A_175 = arith.addi %mul3A_2, %mul3A_174 : i32
        %run_scoped3A_176 = arith.constant 0 : i32
        "tpu.region"() ({
          %run_scoped3A_197 = tpu.sem_alloc : memref<!tpu.dma_semaphore, #tpu.memory_space<semaphore_mem>>
          %dma_start3A_198 = arith.constant 0 : i32
          %dma_start3A_199 = arith.constant 0 : i32
          %dma_start3A_200 = tpu.memref_slice %arg5[%run_scoped3A_176, %dma_start3A_198, %dma_start3A_199] : memref<2x1x256xi32, #tpu.memory_space<vmem>> -> memref<1x1x256xi32, #tpu.memory_space<vmem>>
          %dma_start3A_201 = tpu.memref_squeeze %dma_start3A_200 : memref<1x1x256xi32, #tpu.memory_space<vmem>> -> memref<1x256xi32, #tpu.memory_space<vmem>>
          %dma_start3A_202 = arith.constant 0 : i32
          %dma_start3A_203 = tpu.memref_slice %arg3[%add3A_175, %dma_start3A_202] : memref<3200x256xi32, #tpu.memory_space<hbm>> -> memref<1x256xi32, #tpu.memory_space<hbm>>
          %dma_start3A_204 = arith.constant 0 : i32
          %dma_start3A_205 = arith.constant 0 : i32
          %dma_start3A_206 = tpu.memref_slice %arg5[%run_scoped3A_176, %dma_start3A_204, %dma_start3A_205] : memref<2x1x256xi32, #tpu.memory_space<vmem>> -> memref<1x1x256xi32, #tpu.memory_space<vmem>>
          %dma_start3A_207 = tpu.memref_squeeze %dma_start3A_206 : memref<1x1x256xi32, #tpu.memory_space<vmem>> -> memref<1x256xi32, #tpu.memory_space<vmem>>
          %dma_start3A_208 = arith.constant 0 : i32
          %dma_start3A_209 = tpu.memref_slice %arg3[%add3A_175, %dma_start3A_208] : memref<3200x256xi32, #tpu.memory_space<hbm>> -> memref<1x256xi32, #tpu.memory_space<hbm>>
          tpu.enqueue_dma source(%dma_start3A_209 : memref<1x256xi32, #tpu.memory_space<hbm>>) target(%dma_start3A_207 : memref<1x256xi32, #tpu.memory_space<vmem>>) target_semaphore(%run_scoped3A_197 : memref<!tpu.dma_semaphore, #tpu.memory_space<semaphore_mem>>)
          %dma_wait3A_210 = arith.constant 0 : i32
          %dma_wait3A_211 = arith.constant 0 : i32
          %dma_wait3A_212 = tpu.memref_slice %arg5[%run_scoped3A_176, %dma_wait3A_210, %dma_wait3A_211] : memref<2x1x256xi32, #tpu.memory_space<vmem>> -> memref<1x1x256xi32, #tpu.memory_space<vmem>>
          %dma_wait3A_213 = tpu.memref_squeeze %dma_wait3A_212 : memref<1x1x256xi32, #tpu.memory_space<vmem>> -> memref<1x256xi32, #tpu.memory_space<vmem>>
          %dma_wait3A_214 = arith.constant 0 : i32
          %dma_wait3A_215 = tpu.memref_slice %arg3[%add3A_175, %dma_wait3A_214] : memref<3200x256xi32, #tpu.memory_space<hbm>> -> memref<1x256xi32, #tpu.memory_space<hbm>>
          %dma_wait3A_216 = arith.constant 0 : i32
          %dma_wait3A_217 = arith.constant 0 : i32
          %dma_wait3A_218 = tpu.memref_slice %arg5[%run_scoped3A_176, %dma_wait3A_216, %dma_wait3A_217] : memref<2x1x256xi32, #tpu.memory_space<vmem>> -> memref<1x1x256xi32, #tpu.memory_space<vmem>>
          %dma_wait3A_219 = tpu.memref_squeeze %dma_wait3A_218 : memref<1x1x256xi32, #tpu.memory_space<vmem>> -> memref<1x256xi32, #tpu.memory_space<vmem>>
          %dma_wait3A_220 = arith.constant 0 : i32
          %dma_wait3A_221 = tpu.memref_slice %arg3[%add3A_175, %dma_wait3A_220] : memref<3200x256xi32, #tpu.memory_space<hbm>> -> memref<1x256xi32, #tpu.memory_space<hbm>>
          tpu.wait_dma2 semaphore(%run_scoped3A_197 : memref<!tpu.dma_semaphore, #tpu.memory_space<semaphore_mem>>) src(%dma_wait3A_221 : memref<1x256xi32, #tpu.memory_space<hbm>>) dst(%dma_wait3A_219 : memref<1x256xi32, #tpu.memory_space<vmem>>)
          tpu.yield
        }) : () -> ()
        %dma_start3A_177 = arith.constant 0 : i32
        %dma_start3A_178 = arith.constant 0 : i32
        %dma_start3A_179 = arith.constant 0 : i32
        %dma_start3A_180 = arith.constant 0 : i32
        %dma_start3A_181 = arith.constant 0 : i32
        %dma_start3A_182 = tpu.memref_slice %arg6[%dma_start3A_179, %dma_start3A_180, %dma_start3A_181] : memref<2x256x128xf32, #tpu.memory_space<vmem>> -> memref<1x256x128xf32, #tpu.memory_space<vmem>>
        %dma_start3A_183 = tpu.memref_squeeze %dma_start3A_182 : memref<1x256x128xf32, #tpu.memory_space<vmem>> -> memref<256x128xf32, #tpu.memory_space<vmem>>
        %dma_start3A_184 = arith.constant 0 : i32
        %dma_start3A_185 = arith.constant 0 : i32
        %dma_start3A_186 = tpu.memref_slice %dma_start3A_183[%dma_start3A_184, %dma_start3A_185] : memref<256x128xf32, #tpu.memory_space<vmem>> -> memref<256x128xf32, #tpu.memory_space<vmem>>
        %dma_start3A_187 = arith.constant 0 : i32
        %dma_start3A_188 = arith.constant 0 : i32
        %dma_start3A_189 = tpu.memref_slice %arg5[%dma_start3A_177, %dma_start3A_187, %dma_start3A_188] : memref<2x1x256xi32, #tpu.memory_space<vmem>> -> memref<1x1x256xi32, #tpu.memory_space<vmem>>
        %dma_start3A_190 = tpu.memref_squeeze %dma_start3A_189 : memref<1x1x256xi32, #tpu.memory_space<vmem>> -> memref<1x256xi32, #tpu.memory_space<vmem>>
        %dma_start3A_191 = arith.constant 0 : i32
        %dma_start3A_192 = tpu.memref_slice %dma_start3A_190[%dma_start3A_178, %dma_start3A_191] : memref<1x256xi32, #tpu.memory_space<vmem>> -> memref<1x256xi32, #tpu.memory_space<vmem>>
        %dma_start3A_193 = tpu.memref_squeeze %dma_start3A_192 : memref<1x256xi32, #tpu.memory_space<vmem>> -> memref<256xi32, #tpu.memory_space<vmem>>
        %dma_start3A_194 = arith.constant 0 : i32
        %dma_start3A_195 = arith.constant 0 : i32
        %dma_start3A_196 = tpu.memref_slice %arg2[%dma_start3A_194, %dma_start3A_195] : memref<1000000x128xf32, #tpu.memory_space<hbm>> -> memref<1000000x128xf32, #tpu.memory_space<hbm>>
        tpu.enqueue_indirect_dma source(%dma_start3A_196 : memref<1000000x128xf32, #tpu.memory_space<hbm>>) target(%dma_start3A_186 : memref<256x128xf32, #tpu.memory_space<vmem>>) offsets(%dma_start3A_193 : memref<256xi32, #tpu.memory_space<vmem>>) semaphore(%arg7 : memref<!tpu.dma_semaphore, #tpu.memory_space<semaphore_mem>>)
      } else {
      }
      %mul3A_111 = arith.constant 2 : i32
      %mul3A_112 = arith.muli %scan3A_52, %mul3A_111 : i32
      %add3A_113 = arith.constant 1 : i32
      %add3A_114 = arith.addi %mul3A_112, %add3A_113 : i32
      %mul3A_115 = arith.constant 1 : i32
      %mul3A_116 = arith.muli %add3A_114, %mul3A_115 : i32
      %add3A_117 = arith.addi %mul3A_2, %mul3A_116 : i32
      %mul3A_118 = arith.constant 256 : i32
      %mul3A_119 = arith.muli %add3A_117, %mul3A_118 : i32
      %dma_wait3A_120 = arith.constant 1 : i32
      %dma_wait3A_121 = arith.constant 0 : i32
      %dma_wait3A_122 = arith.constant 1 : i32
      %dma_wait3A_123 = arith.constant 0 : i32
      %dma_wait3A_124 = arith.constant 0 : i32
      %dma_wait3A_125 = tpu.memref_slice %arg6[%dma_wait3A_122, %dma_wait3A_123, %dma_wait3A_124] : memref<2x256x128xf32, #tpu.memory_space<vmem>> -> memref<1x256x128xf32, #tpu.memory_space<vmem>>
      %dma_wait3A_126 = tpu.memref_squeeze %dma_wait3A_125 : memref<1x256x128xf32, #tpu.memory_space<vmem>> -> memref<256x128xf32, #tpu.memory_space<vmem>>
      %dma_wait3A_127 = arith.constant 0 : i32
      %dma_wait3A_128 = arith.constant 0 : i32
      %dma_wait3A_129 = tpu.memref_slice %dma_wait3A_126[%dma_wait3A_127, %dma_wait3A_128] : memref<256x128xf32, #tpu.memory_space<vmem>> -> memref<256x128xf32, #tpu.memory_space<vmem>>
      %dma_wait3A_130 = arith.constant 0 : i32
      %dma_wait3A_131 = arith.constant 0 : i32
      %dma_wait3A_132 = tpu.memref_slice %arg5[%dma_wait3A_120, %dma_wait3A_130, %dma_wait3A_131] : memref<2x1x256xi32, #tpu.memory_space<vmem>> -> memref<1x1x256xi32, #tpu.memory_space<vmem>>
      %dma_wait3A_133 = tpu.memref_squeeze %dma_wait3A_132 : memref<1x1x256xi32, #tpu.memory_space<vmem>> -> memref<1x256xi32, #tpu.memory_space<vmem>>
      %dma_wait3A_134 = arith.constant 0 : i32
      %dma_wait3A_135 = tpu.memref_slice %dma_wait3A_133[%dma_wait3A_121, %dma_wait3A_134] : memref<1x256xi32, #tpu.memory_space<vmem>> -> memref<1x256xi32, #tpu.memory_space<vmem>>
      %dma_wait3A_136 = tpu.memref_squeeze %dma_wait3A_135 : memref<1x256xi32, #tpu.memory_space<vmem>> -> memref<256xi32, #tpu.memory_space<vmem>>
      %dma_wait3A_137 = arith.constant 0 : i32
      %dma_wait3A_138 = arith.constant 0 : i32
      %dma_wait3A_139 = tpu.memref_slice %arg2[%dma_wait3A_137, %dma_wait3A_138] : memref<1000000x128xf32, #tpu.memory_space<hbm>> -> memref<1000000x128xf32, #tpu.memory_space<hbm>>
      tpu.wait_indirect_dma semaphore(%arg8 : memref<!tpu.dma_semaphore, #tpu.memory_space<semaphore_mem>>) src(%dma_wait3A_139 : memref<1000000x128xf32, #tpu.memory_space<hbm>>) dst(%dma_wait3A_129 : memref<256x128xf32, #tpu.memory_space<vmem>>)
      %dma_start3A_140 = arith.constant 1 : i32
      %dma_start3A_141 = arith.constant 0 : i32
      %dma_start3A_142 = arith.constant 0 : i32
      %dma_start3A_143 = tpu.memref_slice %arg6[%dma_start3A_140, %dma_start3A_141, %dma_start3A_142] : memref<2x256x128xf32, #tpu.memory_space<vmem>> -> memref<1x256x128xf32, #tpu.memory_space<vmem>>
      %dma_start3A_144 = tpu.memref_squeeze %dma_start3A_143 : memref<1x256x128xf32, #tpu.memory_space<vmem>> -> memref<256x128xf32, #tpu.memory_space<vmem>>
      %dma_start3A_145 = arith.constant 0 : i32
      %dma_start3A_146 = tpu.memref_slice %arg4[%mul3A_119, %dma_start3A_145] : memref<819200x128xf32, #tpu.memory_space<hbm>> -> memref<256x128xf32, #tpu.memory_space<hbm>>
      %dma_start3A_147 = arith.constant 0 : i32
      %dma_start3A_148 = tpu.memref_slice %arg4[%mul3A_119, %dma_start3A_147] : memref<819200x128xf32, #tpu.memory_space<hbm>> -> memref<256x128xf32, #tpu.memory_space<hbm>>
      %dma_start3A_149 = arith.constant 0 : i32
      %dma_start3A_150 = arith.constant 0 : i32
      %dma_start3A_151 = tpu.memref_slice %arg6[%dma_start3A_140, %dma_start3A_149, %dma_start3A_150] : memref<2x256x128xf32, #tpu.memory_space<vmem>> -> memref<1x256x128xf32, #tpu.memory_space<vmem>>
      %dma_start3A_152 = tpu.memref_squeeze %dma_start3A_151 : memref<1x256x128xf32, #tpu.memory_space<vmem>> -> memref<256x128xf32, #tpu.memory_space<vmem>>
      tpu.enqueue_dma source(%dma_start3A_152 : memref<256x128xf32, #tpu.memory_space<vmem>>) target(%dma_start3A_148 : memref<256x128xf32, #tpu.memory_space<hbm>>) target_semaphore(%arg10 : memref<!tpu.dma_semaphore, #tpu.memory_space<semaphore_mem>>)
      %dma_wait3A_153 = arith.constant 1 : i32
      %dma_wait3A_154 = arith.constant 0 : i32
      %dma_wait3A_155 = arith.constant 0 : i32
      %dma_wait3A_156 = tpu.memref_slice %arg6[%dma_wait3A_153, %dma_wait3A_154, %dma_wait3A_155] : memref<2x256x128xf32, #tpu.memory_space<vmem>> -> memref<1x256x128xf32, #tpu.memory_space<vmem>>
      %dma_wait3A_157 = tpu.memref_squeeze %dma_wait3A_156 : memref<1x256x128xf32, #tpu.memory_space<vmem>> -> memref<256x128xf32, #tpu.memory_space<vmem>>
      %dma_wait3A_158 = arith.constant 0 : i32
      %dma_wait3A_159 = tpu.memref_slice %arg4[%mul3A_119, %dma_wait3A_158] : memref<819200x128xf32, #tpu.memory_space<hbm>> -> memref<256x128xf32, #tpu.memory_space<hbm>>
      %dma_wait3A_160 = arith.constant 0 : i32
      %dma_wait3A_161 = tpu.memref_slice %arg4[%mul3A_119, %dma_wait3A_160] : memref<819200x128xf32, #tpu.memory_space<hbm>> -> memref<256x128xf32, #tpu.memory_space<hbm>>
      %dma_wait3A_162 = arith.constant 0 : i32
      %dma_wait3A_163 = arith.constant 0 : i32
      %dma_wait3A_164 = tpu.memref_slice %arg6[%dma_wait3A_153, %dma_wait3A_162, %dma_wait3A_163] : memref<2x256x128xf32, #tpu.memory_space<vmem>> -> memref<1x256x128xf32, #tpu.memory_space<vmem>>
      %dma_wait3A_165 = tpu.memref_squeeze %dma_wait3A_164 : memref<1x256x128xf32, #tpu.memory_space<vmem>> -> memref<256x128xf32, #tpu.memory_space<vmem>>
      tpu.wait_dma2 semaphore(%arg10 : memref<!tpu.dma_semaphore, #tpu.memory_space<semaphore_mem>>) src(%dma_wait3A_165 : memref<256x128xf32, #tpu.memory_space<vmem>>) dst(%dma_wait3A_161 : memref<256x128xf32, #tpu.memory_space<hbm>>)
      %add3A_166 = arith.constant 2 : i32
      %add3A_167 = arith.addi %add3A_114, %add3A_166 : i32
      %lt3A_168 = arith.constant 100 : i32
      %lt3A_169 = arith.cmpi slt, %add3A_167, %lt3A_168 : i32
      %convert_element_type3A_170 = arith.extui %lt3A_169 : i1 to i32
      %cond3A_171 = arith.constant 0 : i32
      %cond3A_172 = arith.cmpi ne, %convert_element_type3A_170, %cond3A_171 : i32
      scf.if %cond3A_172 {
        %mul3A_173 = arith.constant 1 : i32
        %mul3A_174 = arith.muli %add3A_167, %mul3A_173 : i32
        %add3A_175 = arith.addi %mul3A_2, %mul3A_174 : i32
        %run_scoped3A_176 = arith.constant 1 : i32
        "tpu.region"() ({
          %run_scoped3A_197 = tpu.sem_alloc : memref<!tpu.dma_semaphore, #tpu.memory_space<semaphore_mem>>
          %dma_start3A_198 = arith.constant 0 : i32
          %dma_start3A_199 = arith.constant 0 : i32
          %dma_start3A_200 = tpu.memref_slice %arg5[%run_scoped3A_176, %dma_start3A_198, %dma_start3A_199] : memref<2x1x256xi32, #tpu.memory_space<vmem>> -> memref<1x1x256xi32, #tpu.memory_space<vmem>>
          %dma_start3A_201 = tpu.memref_squeeze %dma_start3A_200 : memref<1x1x256xi32, #tpu.memory_space<vmem>> -> memref<1x256xi32, #tpu.memory_space<vmem>>
          %dma_start3A_202 = arith.constant 0 : i32
          %dma_start3A_203 = tpu.memref_slice %arg3[%add3A_175, %dma_start3A_202] : memref<3200x256xi32, #tpu.memory_space<hbm>> -> memref<1x256xi32, #tpu.memory_space<hbm>>
          %dma_start3A_204 = arith.constant 0 : i32
          %dma_start3A_205 = arith.constant 0 : i32
          %dma_start3A_206 = tpu.memref_slice %arg5[%run_scoped3A_176, %dma_start3A_204, %dma_start3A_205] : memref<2x1x256xi32, #tpu.memory_space<vmem>> -> memref<1x1x256xi32, #tpu.memory_space<vmem>>
          %dma_start3A_207 = tpu.memref_squeeze %dma_start3A_206 : memref<1x1x256xi32, #tpu.memory_space<vmem>> -> memref<1x256xi32, #tpu.memory_space<vmem>>
          %dma_start3A_208 = arith.constant 0 : i32
          %dma_start3A_209 = tpu.memref_slice %arg3[%add3A_175, %dma_start3A_208] : memref<3200x256xi32, #tpu.memory_space<hbm>> -> memref<1x256xi32, #tpu.memory_space<hbm>>
          tpu.enqueue_dma source(%dma_start3A_209 : memref<1x256xi32, #tpu.memory_space<hbm>>) target(%dma_start3A_207 : memref<1x256xi32, #tpu.memory_space<vmem>>) target_semaphore(%run_scoped3A_197 : memref<!tpu.dma_semaphore, #tpu.memory_space<semaphore_mem>>)
          %dma_wait3A_210 = arith.constant 0 : i32
          %dma_wait3A_211 = arith.constant 0 : i32
          %dma_wait3A_212 = tpu.memref_slice %arg5[%run_scoped3A_176, %dma_wait3A_210, %dma_wait3A_211] : memref<2x1x256xi32, #tpu.memory_space<vmem>> -> memref<1x1x256xi32, #tpu.memory_space<vmem>>
          %dma_wait3A_213 = tpu.memref_squeeze %dma_wait3A_212 : memref<1x1x256xi32, #tpu.memory_space<vmem>> -> memref<1x256xi32, #tpu.memory_space<vmem>>
          %dma_wait3A_214 = arith.constant 0 : i32
          %dma_wait3A_215 = tpu.memref_slice %arg3[%add3A_175, %dma_wait3A_214] : memref<3200x256xi32, #tpu.memory_space<hbm>> -> memref<1x256xi32, #tpu.memory_space<hbm>>
          %dma_wait3A_216 = arith.constant 0 : i32
          %dma_wait3A_217 = arith.constant 0 : i32
          %dma_wait3A_218 = tpu.memref_slice %arg5[%run_scoped3A_176, %dma_wait3A_216, %dma_wait3A_217] : memref<2x1x256xi32, #tpu.memory_space<vmem>> -> memref<1x1x256xi32, #tpu.memory_space<vmem>>
          %dma_wait3A_219 = tpu.memref_squeeze %dma_wait3A_218 : memref<1x1x256xi32, #tpu.memory_space<vmem>> -> memref<1x256xi32, #tpu.memory_space<vmem>>
          %dma_wait3A_220 = arith.constant 0 : i32
          %dma_wait3A_221 = tpu.memref_slice %arg3[%add3A_175, %dma_wait3A_220] : memref<3200x256xi32, #tpu.memory_space<hbm>> -> memref<1x256xi32, #tpu.memory_space<hbm>>
          tpu.wait_dma2 semaphore(%run_scoped3A_197 : memref<!tpu.dma_semaphore, #tpu.memory_space<semaphore_mem>>) src(%dma_wait3A_221 : memref<1x256xi32, #tpu.memory_space<hbm>>) dst(%dma_wait3A_219 : memref<1x256xi32, #tpu.memory_space<vmem>>)
          tpu.yield
        }) : () -> ()
        %dma_start3A_177 = arith.constant 1 : i32
        %dma_start3A_178 = arith.constant 0 : i32
        %dma_start3A_179 = arith.constant 1 : i32
        %dma_start3A_180 = arith.constant 0 : i32
        %dma_start3A_181 = arith.constant 0 : i32
        %dma_start3A_182 = tpu.memref_slice %arg6[%dma_start3A_179, %dma_start3A_180, %dma_start3A_181] : memref<2x256x128xf32, #tpu.memory_space<vmem>> -> memref<1x256x128xf32, #tpu.memory_space<vmem>>
        %dma_start3A_183 = tpu.memref_squeeze %dma_start3A_182 : memref<1x256x128xf32, #tpu.memory_space<vmem>> -> memref<256x128xf32, #tpu.memory_space<vmem>>
        %dma_start3A_184 = arith.constant 0 : i32
        %dma_start3A_185 = arith.constant 0 : i32
        %dma_start3A_186 = tpu.memref_slice %dma_start3A_183[%dma_start3A_184, %dma_start3A_185] : memref<256x128xf32, #tpu.memory_space<vmem>> -> memref<256x128xf32, #tpu.memory_space<vmem>>
        %dma_start3A_187 = arith.constant 0 : i32
        %dma_start3A_188 = arith.constant 0 : i32
        %dma_start3A_189 = tpu.memref_slice %arg5[%dma_start3A_177, %dma_start3A_187, %dma_start3A_188] : memref<2x1x256xi32, #tpu.memory_space<vmem>> -> memref<1x1x256xi32, #tpu.memory_space<vmem>>
        %dma_start3A_190 = tpu.memref_squeeze %dma_start3A_189 : memref<1x1x256xi32, #tpu.memory_space<vmem>> -> memref<1x256xi32, #tpu.memory_space<vmem>>
        %dma_start3A_191 = arith.constant 0 : i32
        %dma_start3A_192 = tpu.memref_slice %dma_start3A_190[%dma_start3A_178, %dma_start3A_191] : memref<1x256xi32, #tpu.memory_space<vmem>> -> memref<1x256xi32, #tpu.memory_space<vmem>>
        %dma_start3A_193 = tpu.memref_squeeze %dma_start3A_192 : memref<1x256xi32, #tpu.memory_space<vmem>> -> memref<256xi32, #tpu.memory_space<vmem>>
        %dma_start3A_194 = arith.constant 0 : i32
        %dma_start3A_195 = arith.constant 0 : i32
        %dma_start3A_196 = tpu.memref_slice %arg2[%dma_start3A_194, %dma_start3A_195] : memref<1000000x128xf32, #tpu.memory_space<hbm>> -> memref<1000000x128xf32, #tpu.memory_space<hbm>>
        tpu.enqueue_indirect_dma source(%dma_start3A_196 : memref<1000000x128xf32, #tpu.memory_space<hbm>>) target(%dma_start3A_186 : memref<256x128xf32, #tpu.memory_space<vmem>>) offsets(%dma_start3A_193 : memref<256xi32, #tpu.memory_space<vmem>>) semaphore(%arg8 : memref<!tpu.dma_semaphore, #tpu.memory_space<semaphore_mem>>)
      } else {
      }
    }
    %scan3A_51 = arith.constant 50 : i32
    return
  }
}

</mosaic_0001>

<sc_bundles>
// kernel: _embed.3.cloned.1.call-start
scs
__scs_entry_jumppad:
0x0: {  	(pc) =	sbr.rel $0x88, $3  }
0x1: {  	(tag) =	ssettag $0x0;
	lr =	simm.s32 $0x1  }
0x2: {  	[smem:$0x3F9F] =	sst lr;
	_ =	strace $0xD0000000  }
0x3: {  	_ = 	snop  }
0x4: {  	_ = 	snop  }
0x5: {  	_ = 	snop  }
0x6: {  	_ = 	snop  }
0x7: {  	_ = 	snop  }
__scs_overlays_trampoline_lowered:
0x8: {  	[smem:$0x3FAE] =	sst s0  }
0x9: {  	[smem:$0x3FAF] =	sst s1  }
0xa: {  	[smem:$0x3FB0] =	sst s2  }
0xb: {  	[smem:$0x3FB1] =	sst s3  }
0xc: {  	[smem:$0x3FB2] =	sst s4  }
0xd: {  	[smem:$0x3FB3] =	sst s5  }
0xe: {  	[smem:$0x3FB4] =	sst s6  }
0xf: {  	[smem:$0x3FB5] =	sst s7  }
0x10: {  	[smem:$0x3FB6] =	sst s8  }
0x11: {  	[smem:$0x3FB7] =	sst s9;
	s0 =	simm.s32 @!p0 $0x0  }
0x12: {  	s1 =	sld [smem:$0x3F9D];
	s0 =	simm.s32 @p0 $0x1  }
0x13: {  	[smem:$0x3FB8] =	sst s0;
	s0 =	simm.s32 @!p1 $0x0  }
0x14: {  	s2 =	sld [smem:$0x3F9C];
	s0 =	simm.s32 @p1 $0x1  }
0x15: {  	[smem:$0x3FB9] =	sst s0;
	s0 =	simm.s32 @!p2 $0x0  }
0x16: {  	s3 =	sld [smem:$0x3FDB];
	s0 =	simm.s32 @p2 $0x1  }
0x17: {  	s4 =	simm.s32 $0x1BF5;
	[smem:$0x3FBB] =	sst s0  }
0x18: {  	s0 =	sld [smem:$0x3F9E];
	_ =	swait.ge [sflag:s4], $0x0  }
0x19: {  	s7 =	sld [smem:$0x3F9F]  }
0x1a: {  	s8 =	sadd.s32 $0xFFFFE003, lr  }
0x1b: {  	s9 =	sadd.s32 $0xFFFFFEF7, lr;
	s5 =	simm.s32 $0xFFFFFFFF;
	p2 =	slt.u32 s8, $0xFFFFF086  }
0x1c: {  	p1 =	slt.u32 s9, $0xF7A;
	s5 =	simm.s32 @!p2 $0x0  }
0x1d: {  	s5 =	simm.s32 @p1 $0x1;
	p0 =	seq.s32 s7, s2  }
0x1e: {  	s7 =	smul.u32 @!p0 $0xF7A, s2;
	p2 =	seq.s32 @!p0 s5, $0x0  }
0x1f: {  	s9 =	smul.u32 $0xF7A, s1;
	s8 =	simm.s32 @!p0 $0x1BF5;
	p2 =	por !p2, p0  }
0x20: {  	[sflag:s8] =	ssyncset.s32 @!p0 $0xFFFFF086;
	s6 =	sadd.s32 @!p0 s3, s7;
	s7 =	simm.s32 @!p0 $0x108  }
0x21: {  	s3 =	sadd.s32 s3, s9;
	s6 =	sadd.s32 @!p0 $0x88, s6;
	s7 =	simm.s32 @p2 $0x1082  }
0x22: {  	[simem:s7], [sflag:s8] =	dma.local @!p0 [hbm:s6], $0xF7A  }
0x23: {  	s9 =	sor.u32 $0xD0000000, s2;
	s6 =	simm.s32 $0x108;
	_ =	swait.ge @!p0 [sflag:s8], $0x0  }
0x24: {  	s3 =	sadd.s32 $0x88, s3;
	s6 =	simm.s32 @!p1 $0x1082;
	[sflag:s4] =	ssyncset.s32 $0xFFFFF086  }
0x25: {  	[simem:s6], [sflag:s4] =	dma.local [hbm:s3], $0xF7A  }
0x26: {  	[smem:$0x3F9F] =	sst s1;
	(tag) =	ssettag s2;
	_ =	strace s9  }
0x27: {  	s1 =	sld [smem:$0x3FAF]  }
0x28: {  	s2 =	sld [smem:$0x3FB0]  }
0x29: {  	s4 =	sld [smem:$0x3FB2]  }
0x2a: {  	p0 =	seq.s32 s5, $0x0;
	s5 =	sld [smem:$0x3FB3]  }
0x2b: {  	s6 =	sld [smem:$0x3FB4]  }
0x2c: {  	s7 =	sld [smem:$0x3FB5]  }
0x2d: {  	s3 =	simm.s32 $0x108;
	s8 =	sld [smem:$0x3FB6]  }
0x2e: {  	s3 =	simm.s32 @!p0 $0x1082;
	s9 =	sld [smem:$0x3FB7]  }
0x2f: {  	lr =	sadd.s32 s0, s3;
	s0 =	sld [smem:$0x3FAE]  }
0x30: {  	s3 =	sld [smem:$0x3FB1]  }
0x31: {  	[smem:$0x3FBA] =	sst s10  }
0x32: {  	s10 =	sld [smem:$0x3FB8];
	_ =	sdelay $0x3  }
0x33: {  	p0 =	seq.s32 s10, $0x1;
	s10 =	sld [smem:$0x3FBA];
	_ =	sdelay $0x3  }
0x34: {  	[smem:$0x3FBA] =	sst s10  }
0x35: {  	s10 =	sld [smem:$0x3FB9];
	_ =	sdelay $0x3  }
0x36: {  	p1 =	seq.s32 s10, $0x1;
	s10 =	sld [smem:$0x3FBA];
	_ =	sdelay $0x3  }
0x37: {  	[smem:$0x3FBA] =	sst s10  }
0x38: {  	s10 =	sld [smem:$0x3FBB]  }
0x39: {  	_ = 	snop;
	(pc) =	sbr.ind lr, $3  }
0x3a: {  	_ = 	snop  }
0x3b: {  	_ = 	snop  }
0x3c: {  	p2 =	seq.s32 s10, $0x1;
	s10 =	sld [smem:$0x3FBA]  }
0x3d: {  	_ =	shalt  }
0x3e: {  	_ =	shalt  }
0x3f: {  	_ =	shalt  }
0x40: {  	_ =	shalt  }
0x41: {  	_ =	shalt  }
0x42: {  	_ =	shalt  }
0x43: {  	_ =	shalt  }
0x44: {  	_ =	shalt  }
0x45: {  	_ =	shalt  }
0x46: {  	_ =	shalt  }
0x47: {  	_ =	shalt  }
0x48: {  	_ =	shalt  }
0x49: {  	_ =	shalt  }
0x4a: {  	_ =	shalt  }
0x4b: {  	_ =	shalt  }
0x4c: {  	_ =	shalt  }
0x4d: {  	_ =	shalt  }
0x4e: {  	_ =	shalt  }
0x4f: {  	_ =	shalt  }
0x50: {  	_ =	shalt  }
0x51: {  	_ =	shalt  }
0x52: {  	_ =	shalt  }
0x53: {  	_ =	shalt  }
0x54: {  	_ =	shalt  }
0x55: {  	_ =	shalt  }
0x56: {  	_ =	shalt  }
0x57: {  	_ =	shalt  }
0x58: {  	_ =	shalt  }
0x59: {  	_ =	shalt  }
0x5a: {  	_ =	shalt  }
0x5b: {  	_ =	shalt  }
0x5c: {  	_ =	shalt  }
0x5d: {  	_ =	shalt  }
0x5e: {  	_ =	shalt  }
0x5f: {  	_ =	shalt  }
0x60: {  	_ =	shalt  }
0x61: {  	_ =	shalt  }
0x62: {  	_ =	shalt  }
0x63: {  	_ =	shalt  }
0x64: {  	_ =	shalt  }
0x65: {  	_ =	shalt  }
0x66: {  	_ =	shalt  }
0x67: {  	_ =	shalt  }
0x68: {  	_ =	shalt  }
0x69: {  	_ =	shalt  }
0x6a: {  	_ =	shalt  }
0x6b: {  	_ =	shalt  }
0x6c: {  	_ =	shalt  }
0x6d: {  	_ =	shalt  }
0x6e: {  	_ =	shalt  }
0x6f: {  	_ =	shalt  }
0x70: {  	_ =	shalt  }
0x71: {  	_ =	shalt  }
0x72: {  	_ =	shalt  }
0x73: {  	_ =	shalt  }
0x74: {  	_ =	shalt  }
0x75: {  	_ =	shalt  }
0x76: {  	_ =	shalt  }
0x77: {  	_ =	shalt  }
0x78: {  	_ =	shalt  }
0x79: {  	_ =	shalt  }
0x7a: {  	_ =	shalt  }
0x7b: {  	_ =	shalt  }
0x7c: {  	_ =	shalt  }
0x7d: {  	_ =	shalt  }
0x7e: {  	_ =	shalt  }
0x7f: {  	_ =	shalt  }
0x80: {  	_ =	shalt  }
0x81: {  	_ =	shalt  }
0x82: {  	_ =	shalt  }
0x83: {  	_ =	shalt  }
0x84: {  	_ =	shalt  }
0x85: {  	_ =	shalt  }
0x86: {  	_ =	shalt  }
0x87: {  	_ =	shalt  }
.Lfunc_end0:
.L_simem_size_0:
called_computation_lowered:
.L_overlay_start_0:
0x88: {  	s2 =	sld [smem:$0x3FD9]  }
0x89: {  	s3 =	sld [smem:$0x3FFE];
	_ =	sdelay $0x1  }
0x8a: {  	s1 =	srdreg.scid  }
0x8b: {  	s0 =	sand.u32 $0x1, s1  }
0x8c: {  	s18 =	sshll.u32 s0, $0xA;
	s2 =	sadd.s32 s3, s2  }
0x8d: {  	s2 =	sadd.s32 s2, s18  }
0x8e: {  	[smem:$0x3FC6] =	sst s2  }
0x8f: {  	_ = 	snop  }
0x90: {  	s2 =	sld [smem:$0x3FC9]  }
0x91: {  	s19 =	sld [smem:$0x3FC8]  }
0x92: {  	s4 =	sld [smem:$0x3FD0];
	(tm) =	ssettm $0x1  }
0x93: {  	s5 =	sld [smem:$0x3FFB];
	_ =	sdelay $0x3  }
0x94: {  	_ =	strace s5  }
0x95: {  	s5 =	sld [smem:$0x3FFC];
	_ =	sdelay $0x3  }
0x96: {  	_ =	strace s5  }
0x97: {  	s5 =	sld [smem:$0x3FFD];
	_ =	sdelay $0x3  }
0x98: {  	_ =	strace s5  }
0x99: {  	_ =	strace $0x8FFFFFFF  }
0x9a: {  	s20 =	sld [smem:$0x3FDB];
	_ =	sdelay $0x1  }
0x9b: {  	s6 =	simm.s32 $_scs_section_size  }
0x9c: {  	s7 =	simm.s32 $_size__tile_overlayer_lowered;
	s8 =	simm.s32 $_tile_overlayer_lowered  }
0x9d: {  	s23 =	simm.s32 $0x1BFF;
	s22 =	sshll.u32 s8, $0x1;
	s5 =	sadd.s32 s6, s20  }
0x9e: {  	s9 =	simm.s32 $0x0;
	s21 =	sshll.u32 s7, $0x1;
	s7 =	sadd.s32 s22, s5  }
0x9f: {  	[timem:s9], [sflag:s23] =	dma.local [hbm:s7], s21  }
0xa0: {  	_ =	swait.ge [sflag:s23], s21  }
0xa1: {  	s6 =	ssub.s32 $0x0, s21;
	[sflag:s23] =	ssyncset.done $0x0  }
0xa2: {  	[sflag:s23] =	ssyncadd.s32 s6;
	_ =	sdelay $0x1  }
0xa3: {  	s24 =	simm.s32 $0x1B8B  }
0xa4: {  	_ =	swait.ge [sflag:s24], $0x1  }
0xa5: {  	[sflag:s24] =	ssyncset.done $0x0  }
0xa6: {  	s25 =	simm.s32 $0x1B8E;
	[sflag:s24] =	ssyncadd.s32 $0xFFFFFFFF  }
0xa7: {  	s26 =	simm.s32 $execute0_lowered;
	[smem:$0x3FD2] =	sst s25  }
0xa8: {  	s6 =	sshll.u32 s26, $0x1;
	_ =	strace $0x80000046;
	[dreg:$0x1] =	wrdreg $0xFFFFFFFF  }
0xa9: {  	s28 =	simm.s32 $_size_execute0_lowered;
	s5 =	sadd.s32 s5, s6;
	[dreg:$0x0] =	wrdreg $0x0  }
0xaa: {  	s6 =	sshll.u32 s28, $0x1;
	[dreg:$0x2] =	wrdreg s5  }
0xab: {  	[dreg:$0x3] =	wrdreg s6  }
0xac: {  	[dreg:$0x4] =	wrdreg $0xC0  }
0xad: {  	_ =	task [dreg:s9], $0x5FFFF  }
0xae: {  	[dreg:$0x1] =	wrdreg $0xFFFFFFFF  }
0xaf: {  	[dreg:$0x0] =	wrdreg $0x60  }
0xb0: {  	[dreg:$0x2] =	wrdreg s2  }
0xb1: {  	[dreg:$0x3] =	wrdreg s19  }
0xb2: {  	[dreg:$0x4] =	wrdreg s4  }
0xb3: {  	[dreg:$0x5] =	wrdreg $0x9  }
0xb4: {  	_ =	task.clear_ibuf [dreg:s9], $0x6FFFF;
	_ =	strace $0x90000046  }
0xb5: {  	s29 =	simm.s32 $0x9;
	_ =	strace $0x80000048  }
0xb6: {  	_ =	swait.ge [sflag:s29], $0x1  }
0xb7: {  	[sflag:s29] =	ssyncadd.s32 $0xFFFFFFFF  }
0xb8: {  	_ =	strace $0x90000048  }
0xb9: {  	_ =	sfence  }
0xba: {  	s30 =	sld [smem:$0x0];
	_ =	sdelay $0x2  }
0xbb: {  	s31 =	sshll.u32 s1, $0xD;
	s1 =	sshrl.u32 s1, $0x2  }
0xbc: {  	s3 =	sand.u32 $0x4000, s31;
	s1 =	sadd.s32 s1, s30  }
0xbd: {  	s0 =	sor.u32 s3, s0;
	s1 =	sshll.u32 s1, $0x11  }
0xbe: {  	s0 =	sor.u32 s1, s0  }
0xbf: {  	s0 =	sadd.s32 $0x8F2B, s0  }
0xc0: {  	[sflag:s0] =	ssyncadd.remote.s32 $0x1  }
0xc1: {  	_ =	sfence.sel $0xFFFF  }
0xc2: {  	[dreg:$0x0] =	wrdreg $0xFFFFFFFF;
	(pc) =	sbr.abs _section_cstart, $3  }
0xc3: {  	[dreg:$0x1] =	wrdreg $0xFFFFFFFF  }
0xc4: {  	_ =	task.clear_ibuf [dreg:s9], $0x2FFFF;
	_ =	strace $0x9FFFFFFF  }
0xc5: {  	(tm) =	ssettm $0x7FFFFFFF  }
tec
execute0_lowered:
.L_overlay_start_1:
0x0: {  	(tag) =	ssettag $0x1  }
0x1: {  	s1 =	rddreg [dreg:$0x0];
	s0 =	stileid.u32  }
0x2: {  	s3 =	rddreg [dreg:$0x1];
	s11 =	smul.u32 $0xC80, s0  }
0x3: {  	s2 =	srdreg.scid;
	s14 =	smul.u32 $0xC8, s0  }
0x4: {  	s12 =	rddreg [dreg:$0x2];
	s4 =	simm.s32 $0x0;
	s16 =	smul.u32 $0x1900, s0  }
0x5: {  	s18 =	simm.s32 $0x8200;
	s10 =	sand.u32 $0x1, s2;
	s29 =	smul.u32 $0xC8000, s0  }
0x6: {  	s19 =	simm.s32 $0x1;
	s20 =	simm.s32 $0x3;
	s13 =	smul.u32 $0x640, s10  }
0x7: {  	s21 =	simm.s32 $0x2;
	s22 =	simm.s32 $0x4;
	s15 =	smul.u32 $0x64, s10  }
0x8: {  	s23 =	simm.s32 $0x0;
	s5 =	sshll.u32 s0, $0x1;
	s17 =	smul.u32 $0xC80, s10  }
0x9: {  	[smem:$0x7FF] =	sst s4;
	s5 =	sor.u32 s10, s5;
	s31 =	smul.u32 $0x64000, s10  }
0xa: {  	_ =	strace $0x80000047;
	s25 =	ssub.s32 $0x2, s10;
	s6 =	smul.u32 $0x6400, s5  }
0xb: {  	s7 =	sshll.u32 s10, $0x9;
	s8 =	smul.u32 $0x64000, s5;
	s26 =	sshrl.u32 s25, $0x1  }
0xc: {  	s14 =	sadd.s32 s15, s14;
	s11 =	sadd.s32 s13, s11;
	s10 =	sadd.s32 s17, s16  }
0xd: {  	s13 =	simm.s32 $0x80;
	s15 =	simm.s32 $0x5;
	s16 =	simm.s32 $0x100  }
0xe: {  	s17 =	simm.s32 $0x200;
	s6 =	sand.u32 $0xFF800, s6;
	s9 =	sadd.s32 s12, s8  }
0xf: {  	s28 =	sshll.u32 s14, $0xC;
	[dreg:$0x4] =	wrdreg s11;
	s14 =	simm.s32 $0x400  }
0x10: {  	s6 =	sor.u32 s7, s6;
	s7 =	ssub.s32 s25, s26;
	s8 =	sadd.s32 $0x62000, s9  }
0x11: {  	s9 =	sadd.s32 $0x63000, s9;
	s30 =	sadd.s32 s28, s12;
	s6 =	sshrl.u32 s6, $0x3  }
0x12: {  	s12 =	sadd.s32 s29, s12;
	s7 =	smax.u32 s7, $0x1;
	s5 =	sadd.s32 s3, s6  }
0x13: {  	s11 =	sadd.s32 $0x1000, s30;
	s12 =	sadd.s32 s31, s12;
	s6 =	sadd.s32 $0x10, s5  }
.LBB2_1:
0x14: {  	[tilespmem:s4], [sflag:$0x5] =	stream.strided.gather [hbm4b:s5+s13], $0x100, s14, s13, $0x38;
	[tilespmem:$0x10200] =	vst v63  }
0x15: {  	_ =	swait.ge [sflag:s15], $0x100  }
0x16: {  	[sflag:s15] =	ssyncset.done $0x0  }
0x17: {  	[sflag:s15] =	ssyncadd.s32 $0xFFFFFF00  }
0x18: {  	[tilespmem:s17], [sflag:$0x1] =	stream.indirect.gather [hbm4b:s1+s16], $0x80, s4, s16, $0xb8;
	[tilespmem:$0x10200] =	vst v63  }
0x19: {  	_ = 	snop  }
0x1a: {  	[tilespmem:s16], [sflag:$0x5] =	stream.strided.gather [hbm4b:s6+s13], $0x100, s14, s13, $0x38;
	[tilespmem:$0x10200] =	vst v63  }
0x1b: {  	_ =	swait.ge [sflag:s15], $0x100  }
0x1c: {  	[sflag:s15] =	ssyncset.done $0x0  }
0x1d: {  	[sflag:s15] =	ssyncadd.s32 $0xFFFFFF00  }
0x1e: {  	[tilespmem:s18], [sflag:$0x2] =	stream.indirect.gather [hbm4b:s1+s16], $0x80, s16, s16, $0xb8;
	[tilespmem:$0x10200] =	vst v63  }
0x1f: {  	_ =	swait.ge [sflag:s19], $0x8000  }
0x20: {  	[sflag:s19] =	ssyncset.done $0x0  }
0x21: {  	[sflag:s19] =	ssyncadd.s32 $0xFFFF8000  }
0x22: {  	[hbm4b:s12+s4] =	stream.linear.scatter [tilespmem:s17], [sflag:$0x3], $0x8000, $0x38;
	[tilespmem:$0x10200] =	vst v63  }
0x23: {  	_ =	swait.ge [sflag:s20], $0x8000  }
0x24: {  	s24 =	rddreg [dreg:$0x4]  }
0x25: {  	s25 =	sadd.s32 $0x0, s24  }
0x26: {  	s26 =	sadd.s32 $0x20, s25  }
0x27: {  	s24 =	sadd.s32 $0x40, s10;
	s26 =	sand.u32 $0x60, s26  }
0x28: {  	[sflag:s20] =	ssyncset.done $0x0;
	s28 =	sand.u32 $0xFFFFF00, s24;
	s26 =	sadd.s32 s3, s26  }
0x29: {  	[sflag:s20] =	ssyncadd.s32 $0xFFFF8000;
	s26 =	sadd.s32 s28, s26  }
0x2a: {  	[tilespmem:s4], [sflag:$0x5] =	stream.strided.gather [hbm4b:s26+s13], $0x100, s14, s13, $0x38;
	[tilespmem:$0x10200] =	vst v63  }
0x2b: {  	_ =	swait.ge [sflag:s15], $0x100  }
0x2c: {  	[sflag:s15] =	ssyncset.done $0x0  }
0x2d: {  	[sflag:s15] =	ssyncadd.s32 $0xFFFFFF00  }
0x2e: {  	[tilespmem:s17], [sflag:$0x1] =	stream.indirect.gather [hbm4b:s1+s16], $0x80, s4, s16, $0xb8;
	[tilespmem:$0x10200] =	vst v63  }
0x2f: {  	_ =	swait.ge [sflag:s21], $0x8000  }
0x30: {  	[sflag:s21] =	ssyncset.done $0x0  }
0x31: {  	s25 =	sadd.s32 $0x30, s25;
	[sflag:s21] =	ssyncadd.s32 $0xFFFF8000  }
0x32: {  	[hbm4b:s11+s4] =	stream.linear.scatter [tilespmem:s18], [sflag:$0x4], $0x8000, $0x38;
	[tilespmem:$0x10200] =	vst v63  }
0x33: {  	s31 =	sadd.s32 $0x60, s10;
	s25 =	sand.u32 $0x70, s25;
	_ =	swait.ge [sflag:s22], $0x8000  }
0x34: {  	s25 =	sadd.s32 s3, s25;
	s26 =	sand.u32 $0xFFFFF00, s31;
	[sflag:s22] =	ssyncset.done $0x0  }
0x35: {  	s25 =	sadd.s32 s26, s25;
	[sflag:s22] =	ssyncadd.s32 $0xFFFF8000  }
0x36: {  	[tilespmem:s16], [sflag:$0x5] =	stream.strided.gather [hbm4b:s25+s13], $0x100, s14, s13, $0x38;
	[tilespmem:$0x10200] =	vst v63  }
0x37: {  	_ =	swait.ge [sflag:s15], $0x100  }
0x38: {  	s28 =	sadd.s32 $0x2000, s12;
	[sflag:s15] =	ssyncset.done $0x0  }
0x39: {  	s26 =	sadd.s32 $0x2000, s11;
	s25 =	simm.s32 $0x20;
	[sflag:s15] =	ssyncadd.s32 $0xFFFFFF00  }
.LBB2_2:
0x3a: {  	[tilespmem:s18], [sflag:$0x2] =	stream.indirect.gather [hbm4b:s1+s16], $0x80, s16, s16, $0xb8;
	[tilespmem:$0x10200] =	vst v63  }
0x3b: {  	_ =	swait.ge [sflag:s19], $0x8000  }
0x3c: {  	[sflag:s19] =	ssyncset.done $0x0  }
0x3d: {  	[sflag:s19] =	ssyncadd.s32 $0xFFFF8000  }
0x3e: {  	[hbm4b:s28+s4] =	stream.linear.scatter [tilespmem:s17], [sflag:$0x3], $0x8000, $0x38;
	[tilespmem:$0x10200] =	vst v63  }
0x3f: {  	_ =	swait.ge [sflag:s20], $0x8000  }
0x40: {  	s29 =	smov.u32 s25;
	s31 =	rddreg [dreg:$0x4]  }
0x41: {  	s29 =	sadd.s32 s29, s31  }
0x42: {  	s31 =	sadd.s32 $0x20, s29  }
0x43: {  	s30 =	smov.u32 s24;
	s24 =	sadd.s32 $0x40, s24;
	s31 =	sand.u32 $0x60, s31  }
0x44: {  	s2 =	sand.u32 $0xFFFFF00, s24;
	[sflag:s20] =	ssyncset.done $0x0;
	s31 =	sadd.s32 s3, s31  }
0x45: {  	[sflag:s20] =	ssyncadd.s32 $0xFFFF8000;
	s2 =	sadd.s32 s2, s31  }
0x46: {  	[tilespmem:s4], [sflag:$0x5] =	stream.strided.gather [hbm4b:s2+s13], $0x100, s14, s13, $0x38;
	[tilespmem:$0x10200] =	vst v63  }
0x47: {  	_ =	swait.ge [sflag:s15], $0x100  }
0x48: {  	[sflag:s15] =	ssyncset.done $0x0  }
0x49: {  	[sflag:s15] =	ssyncadd.s32 $0xFFFFFF00  }
0x4a: {  	[tilespmem:s17], [sflag:$0x1] =	stream.indirect.gather [hbm4b:s1+s16], $0x80, s4, s16, $0xb8;
	[tilespmem:$0x10200] =	vst v63  }
0x4b: {  	_ =	swait.ge [sflag:s21], $0x8000  }
0x4c: {  	[sflag:s21] =	ssyncset.done $0x0  }
0x4d: {  	p0 =	sne.s32 s25, $0x600;
	s29 =	sadd.s32 $0x30, s29;
	[sflag:s21] =	ssyncadd.s32 $0xFFFF8000  }
0x4e: {  	[hbm4b:s26+s4] =	stream.linear.scatter [tilespmem:s18], [sflag:$0x4], $0x8000, $0x38;
	[tilespmem:$0x10200] =	vst v63  }
0x4f: {  	s29 =	sand.u32 $0x70, s29;
	s31 =	sadd.s32 $0x60, s30;
	_ =	swait.ge [sflag:s22], $0x8000  }
0x50: {  	s29 =	sadd.s32 s3, s29;
	s2 =	sand.u32 $0xFFFFF00, s31;
	[sflag:s22] =	ssyncset.done $0x0  }
.Ltmp0:
0x51: {  	s2 =	sadd.s32 s2, s29;
	[sflag:s22] =	ssyncadd.s32 $0xFFFF8000;
	(pc) =	sbr.rel @p0 .LBB2_2-.Ltmp0, $4  }
0x52: {  	[tilespmem:s16], [sflag:$0x5] =	stream.strided.gather [hbm4b:s2+s13], $0x100, s14, s13, $0x38;
	[tilespmem:$0x10200] =	vst v63  }
0x53: {  	_ =	swait.ge [sflag:s15], $0x100  }
0x54: {  	s25 =	sadd.s32 $0x20, s25;
	[sflag:s15] =	ssyncset.done $0x0  }
0x55: {  	s28 =	sadd.s32 $0x2000, s28;
	s26 =	sadd.s32 $0x2000, s26;
	[sflag:s15] =	ssyncadd.s32 $0xFFFFFF00  }
0x56: {  	[tilespmem:s18], [sflag:$0x2] =	stream.indirect.gather [hbm4b:s1+s16], $0x80, s16, s16, $0xb8;
	[tilespmem:$0x10200] =	vst v63  }
0x57: {  	_ =	swait.ge [sflag:s19], $0x8000  }
0x58: {  	[sflag:s19] =	ssyncset.done $0x0  }
0x59: {  	[sflag:s19] =	ssyncadd.s32 $0xFFFF8000  }
0x5a: {  	[hbm4b:s8+s4] =	stream.linear.scatter [tilespmem:s17], [sflag:$0x3], $0x8000, $0x38;
	[tilespmem:$0x10200] =	vst v63  }
0x5b: {  	_ =	swait.ge [sflag:s20], $0x8000  }
0x5c: {  	[sflag:s20] =	ssyncset.done $0x0  }
0x5d: {  	[sflag:s20] =	ssyncadd.s32 $0xFFFF8000  }
0x5e: {  	s23 =	sadd.s32 $0x1, s23;
	_ =	swait.ge [sflag:s21], $0x8000  }
0x5f: {  	p0 =	sne.s32 s23, s7;
	[sflag:s21] =	ssyncset.done $0x0  }
.Ltmp1:
0x60: {  	[sflag:s21] =	ssyncadd.s32 $0xFFFF8000;
	(pc) =	sbr.rel @p0 .LBB2_1-.Ltmp1, $4  }
0x61: {  	[hbm4b:s9+s4] =	stream.linear.scatter [tilespmem:s18], [sflag:$0x4], $0x8000, $0x38;
	[tilespmem:$0x10200] =	vst v63  }
0x62: {  	_ =	swait.ge [sflag:s22], $0x8000  }
0x63: {  	[sflag:s22] =	ssyncset.done $0x0  }
0x64: {  	[sflag:s22] =	ssyncadd.s32 $0xFFFF8000  }
0x65: {  	_ =	sfence.sel $0x180000  }
0x66: {  	[bflag:$0x0] =	sbarrier.arrive $0xFFFF  }
0x67: {  	_ =	strace $0x90000047  }
0x68: {  	[bflag:$0x2] =	sbarrier.arrive $0xFFFF  }
0x69: {  	p0 =	sne.s32 s0, $0x0;
	s0 =	rddreg [dreg:$0x3]  }
0x6a: {  	s0 =	sadd.s32 @!p0 $0x100000, s0  }
0x6b: {  	[sflag:s0] =	ssyncadd.tile.s32 @!p0 $0x1;
	_ =	shalt  }
.Lfunc_end2:
_tile_overlayer_lowered:
.L_overlay_start_2:
0x6c: {  	(tag) =	ssettag $0x2  }
0x6d: {  	s0 =	rddreg [dreg:$0x0];
	s2 =	stileid.u32  }
0x6e: {  	s1 =	rddreg [dreg:$0x1];
	p0 =	sne.s32 s2, $0x0  }
0x6f: {  	s3 =	rddreg [dreg:$0x2];
	[bflag:$0x3] =	sbarrier.arrive $0xFFFF;
	s2 =	simm.s32 @!p0 $0x1C05  }
0x70: {  	[timem:s3], [sflag:s2] =	dma.local @!p0 [hbm:s0], s1  }
0x71: {  	s0 =	simm.s32 @!p0 $0x5  }
0x72: {  	_ =	swait.ge @!p0 [sflag:s0], s1  }
0x73: {  	s1 =	ssub.s32 @!p0 $0x0, s1;
	[sflag:s0] =	ssyncset.done @!p0 $0x0  }
0x74: {  	[sflag:s0] =	ssyncadd.s32 @!p0 s1  }
0x75: {  	[bflag:$0x3] =	sbarrier.arrive $0xFFFF  }
0x76: {  	_ =	shalt  }

</sc_bundles>
